<compile_context>
chip_gen: v7x
topology: tpu7x:2x2x1
jax: 0.10.2.dev20260603
libtpu: 0.0.44.dev20260713+nightly
codegen_flags: <defaults>
</compile_context>

<pallas_src>
import functools

import jax
import jax.numpy as jnp
from jax import lax
from jax.experimental import pallas as pl
from jax.experimental.pallas import tpu as pltpu
from jax.experimental.pallas import tpu_sc as plsc

N_ROWS = 16384
D = 64
P = 3
NC = 2
NS = 16
NW = NC * NS
CHUNK = 104
CHUNKS_PER_W = 5
B_PER_W = CHUNK * CHUNKS_PER_W
B_TOTAL = B_PER_W * NW


@functools.cache
def _sc_gather_kernel():
    mesh = plsc.VectorSubcoreMesh(core_axis_name="c", subcore_axis_name="s")

    @functools.partial(
        pl.kernel,
        mesh=mesh,
        out_type=jax.ShapeDtypeStruct((B_TOTAL, 2 * D), jnp.float32),
        scratch_types=[
            pltpu.VMEM((B_PER_W,), jnp.int32),
            pltpu.VMEM((B_PER_W, 2 * D), jnp.float32),
            pltpu.SemaphoreType.DMA,
        ],
    )
    def _sc_gather(table_hbm, idx_hbm, out_hbm, idx_v, rows_v, sem):
        wid = lax.axis_index("s") * NC + lax.axis_index("c")
        base = pl.multiple_of(wid * B_PER_W, 8)
        pltpu.sync_copy(idx_hbm.at[pl.ds(base, B_PER_W)], idx_v)
        copies = []
        for j in range(CHUNKS_PER_W):
            copies.append(
                pltpu.async_copy(
                    table_hbm.at[idx_v.at[pl.ds(j * CHUNK, CHUNK)]],
                    rows_v.at[pl.ds(j * CHUNK, CHUNK)],
                    sem,
                )
            )
        for c in copies:
            c.wait()
        pltpu.sync_copy(rows_v, out_hbm.at[pl.ds(base, B_PER_W)])

    return _sc_gather


BLK = 2048
_GRID = N_ROWS // BLK


def _tc_body(pair_ref, te_pair_ref,
             fcw_ref, fcb_ref, fc2t_ref, fc2b_ref, out_ref):
    hi = lax.Precision.HIGHEST
    te = te_pair_ref[:, :D]
    attach = pair_ref[:, :D]
    tr = fcb_ref[...]
    for p in range(P):
        tr = tr + jnp.dot(te[p:p + 1, :], fcw_ref[p],
                          preferred_element_type=jnp.float32, precision=hi)
    c = jnp.dot(tr, fc2t_ref[...],
                preferred_element_type=jnp.float32, precision=hi) + fc2b_ref[...]
    out_ref[...] = c - jnp.dot(attach, fc2t_ref[...],
                               preferred_element_type=jnp.float32, precision=hi)


_tc_call = pl.pallas_call(
    _tc_body,
    grid=(_GRID,),
    in_specs=[
        pl.BlockSpec((BLK, 2 * D), lambda i: (i, 0)),
        pl.BlockSpec((P, 2 * D), lambda i: (0, 0)),
        pl.BlockSpec((P, D, D), lambda i: (0, 0, 0)),
        pl.BlockSpec((1, D), lambda i: (0, 0)),
        pl.BlockSpec((D, P + 1), lambda i: (0, 0)),
        pl.BlockSpec((1, P + 1), lambda i: (0, 0)),
    ],
    out_specs=pl.BlockSpec((BLK, P + 1), lambda i: (i, 0)),
    out_shape=jax.ShapeDtypeStruct((N_ROWS, P + 1), jnp.float32),
)


def kernel(term, attach_terms, device, table, fc_W, fc_b, fc2_W, fc2_b):
    del device
    idx = jnp.concatenate([
        attach_terms.astype(jnp.int32),
        term.astype(jnp.int32),
        jnp.zeros((B_TOTAL - N_ROWS - P,), jnp.int32),
    ])
    table_pad = jnp.pad(table, ((0, 0), (0, D)))
    g = _sc_gather_kernel()(table_pad, idx)
    fc_Wr = fc_W.reshape(D, P, D).transpose(1, 2, 0)
    return _tc_call(g[:N_ROWS], g[N_ROWS:N_ROWS + P],
                    fc_Wr, fc_b.reshape(1, D), fc2_W.T, fc2_b.reshape(1, P + 1))

# --- scband reference (transcript-rebuilt; emitter-appended) ---
"""Pipeline reference for scband-model2-31379031065349 (READ-ONLY COPY).

The authoritative reference and input builder live on the scoring server;
editing this copy changes nothing except your own understanding.
"""

import jax, jax.numpy as jnp
import numpy as np

NUM_TERMS = 1000000
EMBED_DIM = 64
PATH_LENGTH = 3
N = 16384


def setup_inputs(seed: int = 0) -> dict:
    key = jax.random.key(seed)
    ks = jax.random.split(key, 6)
    term = jax.random.randint(ks[0], (PATH_LENGTH,), 0, NUM_TERMS, dtype=jnp.int64 if jax.config.jax_enable_x64 else jnp.int32)
    attach_terms = jax.random.randint(ks[1], (N,), 0, NUM_TERMS, dtype=jnp.int64 if jax.config.jax_enable_x64 else jnp.int32)
    table = jax.random.normal(ks[2], (NUM_TERMS, EMBED_DIM), dtype=jnp.float32) * 0.02
    fc_W = jax.random.normal(ks[3], (EMBED_DIM, EMBED_DIM * PATH_LENGTH), dtype=jnp.float32) * (1.0 / np.sqrt(EMBED_DIM * PATH_LENGTH))
    fc_b = jnp.zeros((EMBED_DIM,), dtype=jnp.float32)
    fc2_W = jax.random.normal(ks[4], (1 + PATH_LENGTH, EMBED_DIM), dtype=jnp.float32) * (1.0 / np.sqrt(EMBED_DIM))
    fc2_b = jnp.zeros((1 + PATH_LENGTH,), dtype=jnp.float32)
    return {
        "term": term,
        "attach_terms": attach_terms,
        "device": 0,
        "table": table,
        "fc_W": fc_W,
        "fc_b": fc_b,
        "fc2_W": fc2_W,
        "fc2_b": fc2_b,
    }


def reference(term, attach_terms, device, table, fc_W, fc_b, fc2_W, fc2_b):
    # term_embed = self.term_embedding(term)  -> [path_length, embed_dim]
    term_embed = jnp.take(table, term, axis=0)
    # term_embed.reshape(1, -1) -> [1, path_length * embed_dim]
    term_embed = term_embed.reshape(1, -1)
    # term_repr = self.fc(term_embed).repeat(N, 1)
    term_repr = term_embed @ fc_W.T + fc_b  # [1, embed_dim]
    # attach_embed = self.term_embedding(attach_terms) -> [N, embed_dim]
    attach_embed = jnp.take(table, attach_terms, axis=0)
    n = attach_embed.shape[0]
    term_repr = jnp.tile(term_repr, (n, 1))  # [N, embed_dim]
    # output = self.fc2(term_repr - attach_embed) -> [N, 1 + path_length]
    output = (term_repr - attach_embed) @ fc2_W.T + fc2_b
    return output

if __name__ == "__main__":
    import jax
    _d = setup_inputs()
    print(jax.jit(kernel)(*tuple(_d.values())))

</pallas_src>

<mosaic_0001>
#map = affine_map<(d0, d1) -> (0, 0)>
#map1 = affine_map<(d0, d1) -> (0)>
module attributes {stable_mosaic.version = 14 : i64} {
  func.func @_sc_gather(%arg0: i32, %arg1: i32, %arg2: memref<1000000x128xf32, #tpu.memory_space<hbm>>, %arg3: memref<16640xi32, #tpu.memory_space<hbm>>, %arg4: memref<16640x128xf32, #tpu.memory_space<hbm>>, %arg5: memref<520xi32, #tpu.memory_space<vmem>>, %arg6: memref<520x128xf32, #tpu.memory_space<vmem>>, %arg7: memref<!tpu.dma_semaphore, #tpu.memory_space<semaphore_mem>>) attributes {dimension_semantics = [#tpu.dimension_semantics<core_parallel>, #tpu.dimension_semantics<subcore_parallel>], iteration_bounds = array<i64: 2, 16>, scalar_prefetch = 0 : i64, scratch_operands = 3 : i64, tpu.core_type = #tpu.core_type<sc_vector_subcore>, window_params = [{transform_indices = #map}, {transform_indices = #map1}, {transform_indices = #map}]} {
    %mul3A = arith.constant 2 : i32
    %mul3A_0 = arith.muli %arg1, %mul3A : i32
    %add3A = arith.addi %mul3A_0, %arg0 : i32
    %mul3A_1 = arith.constant 520 : i32
    %mul3A_2 = arith.muli %add3A, %mul3A_1 : i32
    %multiple_of3A = tpu.assume_multiple %mul3A_2, 8 : i32
    "tpu.region"() ({
      %run_scoped3A = tpu.sem_alloc : memref<!tpu.dma_semaphore, #tpu.memory_space<semaphore_mem>>
      %dma_start3A_81 = tpu.memref_slice %arg3[%multiple_of3A] : memref<16640xi32, #tpu.memory_space<hbm>> -> memref<520xi32, #tpu.memory_space<hbm>>
      %dma_start3A_82 = tpu.memref_slice %arg3[%multiple_of3A] : memref<16640xi32, #tpu.memory_space<hbm>> -> memref<520xi32, #tpu.memory_space<hbm>>
      tpu.enqueue_dma source(%dma_start3A_82 : memref<520xi32, #tpu.memory_space<hbm>>) target(%arg5 : memref<520xi32, #tpu.memory_space<vmem>>) target_semaphore(%run_scoped3A : memref<!tpu.dma_semaphore, #tpu.memory_space<semaphore_mem>>)
      %dma_wait3A_83 = tpu.memref_slice %arg3[%multiple_of3A] : memref<16640xi32, #tpu.memory_space<hbm>> -> memref<520xi32, #tpu.memory_space<hbm>>
      %dma_wait3A_84 = tpu.memref_slice %arg3[%multiple_of3A] : memref<16640xi32, #tpu.memory_space<hbm>> -> memref<520xi32, #tpu.memory_space<hbm>>
      tpu.wait_dma2 semaphore(%run_scoped3A : memref<!tpu.dma_semaphore, #tpu.memory_space<semaphore_mem>>) src(%dma_wait3A_84 : memref<520xi32, #tpu.memory_space<hbm>>) dst(%arg5 : memref<520xi32, #tpu.memory_space<vmem>>)
      tpu.yield
    }) : () -> ()
    %dma_start3A = arith.constant 0 : i32
    %dma_start3A_3 = arith.constant 0 : i32
    %dma_start3A_4 = tpu.memref_slice %arg6[%dma_start3A, %dma_start3A_3] : memref<520x128xf32, #tpu.memory_space<vmem>> -> memref<104x128xf32, #tpu.memory_space<vmem>>
    %dma_start3A_5 = arith.constant 0 : i32
    %dma_start3A_6 = tpu.memref_slice %arg5[%dma_start3A_5] : memref<520xi32, #tpu.memory_space<vmem>> -> memref<104xi32, #tpu.memory_space<vmem>>
    %dma_start3A_7 = arith.constant 0 : i32
    %dma_start3A_8 = arith.constant 0 : i32
    %dma_start3A_9 = tpu.memref_slice %arg2[%dma_start3A_7, %dma_start3A_8] : memref<1000000x128xf32, #tpu.memory_space<hbm>> -> memref<1000000x128xf32, #tpu.memory_space<hbm>>
    tpu.enqueue_indirect_dma source(%dma_start3A_9 : memref<1000000x128xf32, #tpu.memory_space<hbm>>) target(%dma_start3A_4 : memref<104x128xf32, #tpu.memory_space<vmem>>) offsets(%dma_start3A_6 : memref<104xi32, #tpu.memory_space<vmem>>) semaphore(%arg7 : memref<!tpu.dma_semaphore, #tpu.memory_space<semaphore_mem>>)
    %dma_start3A_10 = arith.constant 104 : i32
    %dma_start3A_11 = arith.constant 0 : i32
    %dma_start3A_12 = tpu.memref_slice %arg6[%dma_start3A_10, %dma_start3A_11] : memref<520x128xf32, #tpu.memory_space<vmem>> -> memref<104x128xf32, #tpu.memory_space<vmem>>
    %dma_start3A_13 = arith.constant 104 : i32
    %dma_start3A_14 = tpu.memref_slice %arg5[%dma_start3A_13] : memref<520xi32, #tpu.memory_space<vmem>> -> memref<104xi32, #tpu.memory_space<vmem>>
    %dma_start3A_15 = arith.constant 0 : i32
    %dma_start3A_16 = arith.constant 0 : i32
    %dma_start3A_17 = tpu.memref_slice %arg2[%dma_start3A_15, %dma_start3A_16] : memref<1000000x128xf32, #tpu.memory_space<hbm>> -> memref<1000000x128xf32, #tpu.memory_space<hbm>>
    tpu.enqueue_indirect_dma source(%dma_start3A_17 : memref<1000000x128xf32, #tpu.memory_space<hbm>>) target(%dma_start3A_12 : memref<104x128xf32, #tpu.memory_space<vmem>>) offsets(%dma_start3A_14 : memref<104xi32, #tpu.memory_space<vmem>>) semaphore(%arg7 : memref<!tpu.dma_semaphore, #tpu.memory_space<semaphore_mem>>)
    %dma_start3A_18 = arith.constant 208 : i32
    %dma_start3A_19 = arith.constant 0 : i32
    %dma_start3A_20 = tpu.memref_slice %arg6[%dma_start3A_18, %dma_start3A_19] : memref<520x128xf32, #tpu.memory_space<vmem>> -> memref<104x128xf32, #tpu.memory_space<vmem>>
    %dma_start3A_21 = arith.constant 208 : i32
    %dma_start3A_22 = tpu.memref_slice %arg5[%dma_start3A_21] : memref<520xi32, #tpu.memory_space<vmem>> -> memref<104xi32, #tpu.memory_space<vmem>>
    %dma_start3A_23 = arith.constant 0 : i32
    %dma_start3A_24 = arith.constant 0 : i32
    %dma_start3A_25 = tpu.memref_slice %arg2[%dma_start3A_23, %dma_start3A_24] : memref<1000000x128xf32, #tpu.memory_space<hbm>> -> memref<1000000x128xf32, #tpu.memory_space<hbm>>
    tpu.enqueue_indirect_dma source(%dma_start3A_25 : memref<1000000x128xf32, #tpu.memory_space<hbm>>) target(%dma_start3A_20 : memref<104x128xf32, #tpu.memory_space<vmem>>) offsets(%dma_start3A_22 : memref<104xi32, #tpu.memory_space<vmem>>) semaphore(%arg7 : memref<!tpu.dma_semaphore, #tpu.memory_space<semaphore_mem>>)
    %dma_start3A_26 = arith.constant 312 : i32
    %dma_start3A_27 = arith.constant 0 : i32
    %dma_start3A_28 = tpu.memref_slice %arg6[%dma_start3A_26, %dma_start3A_27] : memref<520x128xf32, #tpu.memory_space<vmem>> -> memref<104x128xf32, #tpu.memory_space<vmem>>
    %dma_start3A_29 = arith.constant 312 : i32
    %dma_start3A_30 = tpu.memref_slice %arg5[%dma_start3A_29] : memref<520xi32, #tpu.memory_space<vmem>> -> memref<104xi32, #tpu.memory_space<vmem>>
    %dma_start3A_31 = arith.constant 0 : i32
    %dma_start3A_32 = arith.constant 0 : i32
    %dma_start3A_33 = tpu.memref_slice %arg2[%dma_start3A_31, %dma_start3A_32] : memref<1000000x128xf32, #tpu.memory_space<hbm>> -> memref<1000000x128xf32, #tpu.memory_space<hbm>>
    tpu.enqueue_indirect_dma source(%dma_start3A_33 : memref<1000000x128xf32, #tpu.memory_space<hbm>>) target(%dma_start3A_28 : memref<104x128xf32, #tpu.memory_space<vmem>>) offsets(%dma_start3A_30 : memref<104xi32, #tpu.memory_space<vmem>>) semaphore(%arg7 : memref<!tpu.dma_semaphore, #tpu.memory_space<semaphore_mem>>)
    %dma_start3A_34 = arith.constant 416 : i32
    %dma_start3A_35 = arith.constant 0 : i32
    %dma_start3A_36 = tpu.memref_slice %arg6[%dma_start3A_34, %dma_start3A_35] : memref<520x128xf32, #tpu.memory_space<vmem>> -> memref<104x128xf32, #tpu.memory_space<vmem>>
    %dma_start3A_37 = arith.constant 416 : i32
    %dma_start3A_38 = tpu.memref_slice %arg5[%dma_start3A_37] : memref<520xi32, #tpu.memory_space<vmem>> -> memref<104xi32, #tpu.memory_space<vmem>>
    %dma_start3A_39 = arith.constant 0 : i32
    %dma_start3A_40 = arith.constant 0 : i32
    %dma_start3A_41 = tpu.memref_slice %arg2[%dma_start3A_39, %dma_start3A_40] : memref<1000000x128xf32, #tpu.memory_space<hbm>> -> memref<1000000x128xf32, #tpu.memory_space<hbm>>
    tpu.enqueue_indirect_dma source(%dma_start3A_41 : memref<1000000x128xf32, #tpu.memory_space<hbm>>) target(%dma_start3A_36 : memref<104x128xf32, #tpu.memory_space<vmem>>) offsets(%dma_start3A_38 : memref<104xi32, #tpu.memory_space<vmem>>) semaphore(%arg7 : memref<!tpu.dma_semaphore, #tpu.memory_space<semaphore_mem>>)
    %dma_wait3A = arith.constant 0 : i32
    %dma_wait3A_42 = arith.constant 0 : i32
    %dma_wait3A_43 = tpu.memref_slice %arg6[%dma_wait3A, %dma_wait3A_42] : memref<520x128xf32, #tpu.memory_space<vmem>> -> memref<104x128xf32, #tpu.memory_space<vmem>>
    %dma_wait3A_44 = arith.constant 0 : i32
    %dma_wait3A_45 = tpu.memref_slice %arg5[%dma_wait3A_44] : memref<520xi32, #tpu.memory_space<vmem>> -> memref<104xi32, #tpu.memory_space<vmem>>
    %dma_wait3A_46 = arith.constant 0 : i32
    %dma_wait3A_47 = arith.constant 0 : i32
    %dma_wait3A_48 = tpu.memref_slice %arg2[%dma_wait3A_46, %dma_wait3A_47] : memref<1000000x128xf32, #tpu.memory_space<hbm>> -> memref<1000000x128xf32, #tpu.memory_space<hbm>>
    tpu.wait_indirect_dma semaphore(%arg7 : memref<!tpu.dma_semaphore, #tpu.memory_space<semaphore_mem>>) src(%dma_wait3A_48 : memref<1000000x128xf32, #tpu.memory_space<hbm>>) dst(%dma_wait3A_43 : memref<104x128xf32, #tpu.memory_space<vmem>>)
    %dma_wait3A_49 = arith.constant 104 : i32
    %dma_wait3A_50 = arith.constant 0 : i32
    %dma_wait3A_51 = tpu.memref_slice %arg6[%dma_wait3A_49, %dma_wait3A_50] : memref<520x128xf32, #tpu.memory_space<vmem>> -> memref<104x128xf32, #tpu.memory_space<vmem>>
    %dma_wait3A_52 = arith.constant 104 : i32
    %dma_wait3A_53 = tpu.memref_slice %arg5[%dma_wait3A_52] : memref<520xi32, #tpu.memory_space<vmem>> -> memref<104xi32, #tpu.memory_space<vmem>>
    %dma_wait3A_54 = arith.constant 0 : i32
    %dma_wait3A_55 = arith.constant 0 : i32
    %dma_wait3A_56 = tpu.memref_slice %arg2[%dma_wait3A_54, %dma_wait3A_55] : memref<1000000x128xf32, #tpu.memory_space<hbm>> -> memref<1000000x128xf32, #tpu.memory_space<hbm>>
    tpu.wait_indirect_dma semaphore(%arg7 : memref<!tpu.dma_semaphore, #tpu.memory_space<semaphore_mem>>) src(%dma_wait3A_56 : memref<1000000x128xf32, #tpu.memory_space<hbm>>) dst(%dma_wait3A_51 : memref<104x128xf32, #tpu.memory_space<vmem>>)
    %dma_wait3A_57 = arith.constant 208 : i32
    %dma_wait3A_58 = arith.constant 0 : i32
    %dma_wait3A_59 = tpu.memref_slice %arg6[%dma_wait3A_57, %dma_wait3A_58] : memref<520x128xf32, #tpu.memory_space<vmem>> -> memref<104x128xf32, #tpu.memory_space<vmem>>
    %dma_wait3A_60 = arith.constant 208 : i32
    %dma_wait3A_61 = tpu.memref_slice %arg5[%dma_wait3A_60] : memref<520xi32, #tpu.memory_space<vmem>> -> memref<104xi32, #tpu.memory_space<vmem>>
    %dma_wait3A_62 = arith.constant 0 : i32
    %dma_wait3A_63 = arith.constant 0 : i32
    %dma_wait3A_64 = tpu.memref_slice %arg2[%dma_wait3A_62, %dma_wait3A_63] : memref<1000000x128xf32, #tpu.memory_space<hbm>> -> memref<1000000x128xf32, #tpu.memory_space<hbm>>
    tpu.wait_indirect_dma semaphore(%arg7 : memref<!tpu.dma_semaphore, #tpu.memory_space<semaphore_mem>>) src(%dma_wait3A_64 : memref<1000000x128xf32, #tpu.memory_space<hbm>>) dst(%dma_wait3A_59 : memref<104x128xf32, #tpu.memory_space<vmem>>)
    %dma_wait3A_65 = arith.constant 312 : i32
    %dma_wait3A_66 = arith.constant 0 : i32
    %dma_wait3A_67 = tpu.memref_slice %arg6[%dma_wait3A_65, %dma_wait3A_66] : memref<520x128xf32, #tpu.memory_space<vmem>> -> memref<104x128xf32, #tpu.memory_space<vmem>>
    %dma_wait3A_68 = arith.constant 312 : i32
    %dma_wait3A_69 = tpu.memref_slice %arg5[%dma_wait3A_68] : memref<520xi32, #tpu.memory_space<vmem>> -> memref<104xi32, #tpu.memory_space<vmem>>
    %dma_wait3A_70 = arith.constant 0 : i32
    %dma_wait3A_71 = arith.constant 0 : i32
    %dma_wait3A_72 = tpu.memref_slice %arg2[%dma_wait3A_70, %dma_wait3A_71] : memref<1000000x128xf32, #tpu.memory_space<hbm>> -> memref<1000000x128xf32, #tpu.memory_space<hbm>>
    tpu.wait_indirect_dma semaphore(%arg7 : memref<!tpu.dma_semaphore, #tpu.memory_space<semaphore_mem>>) src(%dma_wait3A_72 : memref<1000000x128xf32, #tpu.memory_space<hbm>>) dst(%dma_wait3A_67 : memref<104x128xf32, #tpu.memory_space<vmem>>)
    %dma_wait3A_73 = arith.constant 416 : i32
    %dma_wait3A_74 = arith.constant 0 : i32
    %dma_wait3A_75 = tpu.memref_slice %arg6[%dma_wait3A_73, %dma_wait3A_74] : memref<520x128xf32, #tpu.memory_space<vmem>> -> memref<104x128xf32, #tpu.memory_space<vmem>>
    %dma_wait3A_76 = arith.constant 416 : i32
    %dma_wait3A_77 = tpu.memref_slice %arg5[%dma_wait3A_76] : memref<520xi32, #tpu.memory_space<vmem>> -> memref<104xi32, #tpu.memory_space<vmem>>
    %dma_wait3A_78 = arith.constant 0 : i32
    %dma_wait3A_79 = arith.constant 0 : i32
    %dma_wait3A_80 = tpu.memref_slice %arg2[%dma_wait3A_78, %dma_wait3A_79] : memref<1000000x128xf32, #tpu.memory_space<hbm>> -> memref<1000000x128xf32, #tpu.memory_space<hbm>>
    tpu.wait_indirect_dma semaphore(%arg7 : memref<!tpu.dma_semaphore, #tpu.memory_space<semaphore_mem>>) src(%dma_wait3A_80 : memref<1000000x128xf32, #tpu.memory_space<hbm>>) dst(%dma_wait3A_75 : memref<104x128xf32, #tpu.memory_space<vmem>>)
    "tpu.region"() ({
      %run_scoped3A = tpu.sem_alloc : memref<!tpu.dma_semaphore, #tpu.memory_space<semaphore_mem>>
      %dma_start3A_81 = arith.constant 0 : i32
      %dma_start3A_82 = tpu.memref_slice %arg4[%multiple_of3A, %dma_start3A_81] : memref<16640x128xf32, #tpu.memory_space<hbm>> -> memref<520x128xf32, #tpu.memory_space<hbm>>
      %dma_start3A_83 = arith.constant 0 : i32
      %dma_start3A_84 = tpu.memref_slice %arg4[%multiple_of3A, %dma_start3A_83] : memref<16640x128xf32, #tpu.memory_space<hbm>> -> memref<520x128xf32, #tpu.memory_space<hbm>>
      tpu.enqueue_dma source(%arg6 : memref<520x128xf32, #tpu.memory_space<vmem>>) target(%dma_start3A_84 : memref<520x128xf32, #tpu.memory_space<hbm>>) target_semaphore(%run_scoped3A : memref<!tpu.dma_semaphore, #tpu.memory_space<semaphore_mem>>)
      %dma_wait3A_85 = arith.constant 0 : i32
      %dma_wait3A_86 = tpu.memref_slice %arg4[%multiple_of3A, %dma_wait3A_85] : memref<16640x128xf32, #tpu.memory_space<hbm>> -> memref<520x128xf32, #tpu.memory_space<hbm>>
      %dma_wait3A_87 = arith.constant 0 : i32
      %dma_wait3A_88 = tpu.memref_slice %arg4[%multiple_of3A, %dma_wait3A_87] : memref<16640x128xf32, #tpu.memory_space<hbm>> -> memref<520x128xf32, #tpu.memory_space<hbm>>
      tpu.wait_dma2 semaphore(%run_scoped3A : memref<!tpu.dma_semaphore, #tpu.memory_space<semaphore_mem>>) src(%arg6 : memref<520x128xf32, #tpu.memory_space<vmem>>) dst(%dma_wait3A_88 : memref<520x128xf32, #tpu.memory_space<hbm>>)
      tpu.yield
    }) : () -> ()
    return
  }
}

module attributes {stable_mosaic.version = 14 : i64} {
  func.func @_tc_body(%arg0: i32, %arg1: memref<2048x128xf32, #tpu.memory_space<vmem>>, %arg2: memref<3x128xf32, #tpu.memory_space<vmem>>, %arg3: memref<3x64x64xf32, #tpu.memory_space<vmem>>, %arg4: memref<1x64xf32, #tpu.memory_space<vmem>>, %arg5: memref<64x4xf32, #tpu.memory_space<vmem>>, %arg6: memref<1x4xf32, #tpu.memory_space<vmem>>, %arg7: memref<2048x4xf32, #tpu.memory_space<vmem>>) attributes {dimension_semantics = [#tpu.dimension_semantics<arbitrary>], iteration_bounds = array<i64: 8>, scalar_prefetch = 0 : i64, scratch_operands = 0 : i64, tpu.core_type = #tpu.core_type<tc>, window_params = [{transform_indices = @transform_0, window_bounds = array<i64: 2048, 128>}, {pipeline_mode = #tpu.pipeline_mode<synchronous>, transform_indices = @transform_1, window_bounds = array<i64: 3, 128>}, {pipeline_mode = #tpu.pipeline_mode<synchronous>, transform_indices = @transform_2, window_bounds = array<i64: 3, 64, 64>}, {pipeline_mode = #tpu.pipeline_mode<synchronous>, transform_indices = @transform_3, window_bounds = array<i64: 1, 64>}, {pipeline_mode = #tpu.pipeline_mode<synchronous>, transform_indices = @transform_4, window_bounds = array<i64: 64, 4>}, {pipeline_mode = #tpu.pipeline_mode<synchronous>, transform_indices = @transform_5, window_bounds = array<i64: 1, 4>}, {transform_indices = @transform_6, window_bounds = array<i64: 2048, 4>}]} {
    %get3A = arith.constant 0 : index
    %get3A_0 = arith.constant 0 : index
    %get3A_1 = vector.load %arg2[%get3A, %get3A_0] : memref<3x128xf32, #tpu.memory_space<vmem>>, vector<3x64xf32>
    %get3A_2 = arith.constant 0 : index
    %get3A_3 = arith.constant 0 : index
    %get3A_4 = vector.load %arg1[%get3A_2, %get3A_3] : memref<2048x128xf32, #tpu.memory_space<vmem>>, vector<2048x64xf32>
    %get3A_5 = arith.constant 0 : index
    %get3A_6 = arith.constant 0 : index
    %get3A_7 = vector.load %arg4[%get3A_5, %get3A_6] : memref<1x64xf32, #tpu.memory_space<vmem>>, vector<1x64xf32>
    %slice3A = vector.extract_strided_slice %get3A_1 {offsets = [0, 0], sizes = [1, 64], strides = [1, 1]} : vector<3x64xf32> to vector<1x64xf32>
    %get3A_8 = arith.constant 0 : index
    %get3A_9 = arith.constant 0 : index
    %get3A_10 = arith.constant 0 : index
    %get3A_11 = vector.load %arg3[%get3A_8, %get3A_9, %get3A_10] : memref<3x64x64xf32, #tpu.memory_space<vmem>>, vector<1x64x64xf32>
    %get3A_12 = vector.shape_cast %get3A_11 : vector<1x64x64xf32> to vector<64x64xf32>
    %dot_general3A = arith.constant dense<0.000000e+00> : vector<1x64xf32>
    %dot_general3A_13 = tpu.matmul %slice3A, %get3A_12, %dot_general3A {dimension_numbers = #tpu.dot_dimension_numbers<[1], [0], [0], [1], [0, 0, 1, 1], [], []>, precision = #tpu.contract_precision<fp32>, transpose_lhs_hint = false} : vector<1x64xf32>, vector<64x64xf32>, vector<1x64xf32> -> vector<1x64xf32>
    %add3A = arith.addf %get3A_7, %dot_general3A_13 : vector<1x64xf32>
    %slice3A_14 = vector.extract_strided_slice %get3A_1 {offsets = [1, 0], sizes = [1, 64], strides = [1, 1]} : vector<3x64xf32> to vector<1x64xf32>
    %get3A_15 = arith.constant 1 : index
    %get3A_16 = arith.constant 0 : index
    %get3A_17 = arith.constant 0 : index
    %get3A_18 = vector.load %arg3[%get3A_15, %get3A_16, %get3A_17] : memref<3x64x64xf32, #tpu.memory_space<vmem>>, vector<1x64x64xf32>
    %get3A_19 = vector.shape_cast %get3A_18 : vector<1x64x64xf32> to vector<64x64xf32>
    %dot_general3A_20 = arith.constant dense<0.000000e+00> : vector<1x64xf32>
    %dot_general3A_21 = tpu.matmul %slice3A_14, %get3A_19, %dot_general3A_20 {dimension_numbers = #tpu.dot_dimension_numbers<[1], [0], [0], [1], [0, 0, 1, 1], [], []>, precision = #tpu.contract_precision<fp32>, transpose_lhs_hint = false} : vector<1x64xf32>, vector<64x64xf32>, vector<1x64xf32> -> vector<1x64xf32>
    %add3A_22 = arith.addf %add3A, %dot_general3A_21 : vector<1x64xf32>
    %slice3A_23 = vector.extract_strided_slice %get3A_1 {offsets = [2, 0], sizes = [1, 64], strides = [1, 1]} : vector<3x64xf32> to vector<1x64xf32>
    %get3A_24 = arith.constant 2 : index
    %get3A_25 = arith.constant 0 : index
    %get3A_26 = arith.constant 0 : index
    %get3A_27 = vector.load %arg3[%get3A_24, %get3A_25, %get3A_26] : memref<3x64x64xf32, #tpu.memory_space<vmem>>, vector<1x64x64xf32>
    %get3A_28 = vector.shape_cast %get3A_27 : vector<1x64x64xf32> to vector<64x64xf32>
    %dot_general3A_29 = arith.constant dense<0.000000e+00> : vector<1x64xf32>
    %dot_general3A_30 = tpu.matmul %slice3A_23, %get3A_28, %dot_general3A_29 {dimension_numbers = #tpu.dot_dimension_numbers<[1], [0], [0], [1], [0, 0, 1, 1], [], []>, precision = #tpu.contract_precision<fp32>, transpose_lhs_hint = false} : vector<1x64xf32>, vector<64x64xf32>, vector<1x64xf32> -> vector<1x64xf32>
    %add3A_31 = arith.addf %add3A_22, %dot_general3A_30 : vector<1x64xf32>
    %get3A_32 = arith.constant 0 : index
    %get3A_33 = arith.constant 0 : index
    %get3A_34 = vector.load %arg5[%get3A_32, %get3A_33] : memref<64x4xf32, #tpu.memory_space<vmem>>, vector<64x4xf32>
    %dot_general3A_35 = arith.constant dense<0.000000e+00> : vector<1x4xf32>
    %dot_general3A_36 = tpu.matmul %add3A_31, %get3A_34, %dot_general3A_35 {dimension_numbers = #tpu.dot_dimension_numbers<[1], [0], [0], [1], [0, 0, 1, 1], [], []>, precision = #tpu.contract_precision<fp32>, transpose_lhs_hint = false} : vector<1x64xf32>, vector<64x4xf32>, vector<1x4xf32> -> vector<1x4xf32>
    %get3A_37 = arith.constant 0 : index
    %get3A_38 = arith.constant 0 : index
    %get3A_39 = vector.load %arg6[%get3A_37, %get3A_38] : memref<1x4xf32, #tpu.memory_space<vmem>>, vector<1x4xf32>
    %add3A_40 = arith.addf %dot_general3A_36, %get3A_39 : vector<1x4xf32>
    %get3A_41 = arith.constant 0 : index
    %get3A_42 = arith.constant 0 : index
    %get3A_43 = vector.load %arg5[%get3A_41, %get3A_42] : memref<64x4xf32, #tpu.memory_space<vmem>>, vector<64x4xf32>
    %dot_general3A_44 = arith.constant dense<0.000000e+00> : vector<2048x4xf32>
    %dot_general3A_45 = tpu.matmul %get3A_4, %get3A_43, %dot_general3A_44 {dimension_numbers = #tpu.dot_dimension_numbers<[1], [0], [0], [1], [0, 0, 1, 1], [], []>, precision = #tpu.contract_precision<fp32>, transpose_lhs_hint = false} : vector<2048x64xf32>, vector<64x4xf32>, vector<2048x4xf32> -> vector<2048x4xf32>
    %sub3A = vector.broadcast %add3A_40 : vector<1x4xf32> to vector<2048x4xf32>
    %sub3A_46 = arith.subf %sub3A, %dot_general3A_45 : vector<2048x4xf32>
    %swap3A = arith.constant 0 : index
    %swap3A_47 = arith.constant 0 : index
    %swap3A_48 = vector.load %arg7[%swap3A, %swap3A_47] : memref<2048x4xf32, #tpu.memory_space<vmem>>, vector<2048x4xf32>
    tpu.vector_store %arg7[%swap3A, %swap3A_47], %sub3A_46 {strides = array<i32>} : memref<2048x4xf32, #tpu.memory_space<vmem>>, vector<2048x4xf32>,
    return
  }
  func.func @transform_0(%arg0: i32) -> (i32, i32) {
    %c0_i32 = arith.constant 0 : i32
    %c0_i32_0 = arith.constant 0 : i32
    return %arg0, %c0_i32 : i32, i32
  }
  func.func @transform_1(%arg0: i32) -> (i32, i32) {
    %c0_i32 = arith.constant 0 : i32
    %c0_i32_0 = arith.constant 0 : i32
    %c0_i32_1 = arith.constant 0 : i32
    return %c0_i32, %c0_i32_0 : i32, i32
  }
  func.func @transform_2(%arg0: i32) -> (i32, i32, i32) {
    %c0_i32 = arith.constant 0 : i32
    %c0_i32_0 = arith.constant 0 : i32
    %c0_i32_1 = arith.constant 0 : i32
    %c0_i32_2 = arith.constant 0 : i32
    return %c0_i32, %c0_i32_0, %c0_i32_1 : i32, i32, i32
  }
  func.func @transform_3(%arg0: i32) -> (i32, i32) {
    %c0_i32 = arith.constant 0 : i32
    %c0_i32_0 = arith.constant 0 : i32
    %c0_i32_1 = arith.constant 0 : i32
    return %c0_i32, %c0_i32_0 : i32, i32
  }
  func.func @transform_4(%arg0: i32) -> (i32, i32) {
    %c0_i32 = arith.constant 0 : i32
    %c0_i32_0 = arith.constant 0 : i32
    %c0_i32_1 = arith.constant 0 : i32
    return %c0_i32, %c0_i32_0 : i32, i32
  }
  func.func @transform_5(%arg0: i32) -> (i32, i32) {
    %c0_i32 = arith.constant 0 : i32
    %c0_i32_0 = arith.constant 0 : i32
    %c0_i32_1 = arith.constant 0 : i32
    return %c0_i32, %c0_i32_0 : i32, i32
  }
  func.func @transform_6(%arg0: i32) -> (i32, i32) {
    %c0_i32 = arith.constant 0 : i32
    %c0_i32_0 = arith.constant 0 : i32
    return %arg0, %c0_i32 : i32, i32
  }
}

</mosaic_0001>

<sc_bundles>
// kernel: kernel.4.cloned.1.call-start
scs
__scs_entry_jumppad:
0x0: {  	(pc) =	sbr.rel $0x88, $3  }
0x1: {  	(tag) =	ssettag $0x0;
	lr =	simm.s32 $0x1  }
0x2: {  	[smem:$0x3F9A] =	sst lr;
	_ =	strace $0xD0000000  }
0x3: {  	_ = 	snop  }
0x4: {  	_ = 	snop  }
0x5: {  	_ = 	snop  }
0x6: {  	_ = 	snop  }
0x7: {  	_ = 	snop  }
__scs_overlays_trampoline_lowered:
0x8: {  	[smem:$0x3FA9] =	sst s0  }
0x9: {  	[smem:$0x3FAA] =	sst s1  }
0xa: {  	[smem:$0x3FAB] =	sst s2  }
0xb: {  	[smem:$0x3FAC] =	sst s3  }
0xc: {  	[smem:$0x3FAD] =	sst s4  }
0xd: {  	[smem:$0x3FAE] =	sst s5  }
0xe: {  	[smem:$0x3FAF] =	sst s6  }
0xf: {  	[smem:$0x3FB0] =	sst s7  }
0x10: {  	[smem:$0x3FB1] =	sst s8  }
0x11: {  	[smem:$0x3FB2] =	sst s9;
	s0 =	simm.s32 @!p0 $0x0  }
0x12: {  	s1 =	sld [smem:$0x3F98];
	s0 =	simm.s32 @p0 $0x1  }
0x13: {  	[smem:$0x3FB3] =	sst s0;
	s0 =	simm.s32 @!p1 $0x0  }
0x14: {  	s2 =	sld [smem:$0x3F97];
	s0 =	simm.s32 @p1 $0x1  }
0x15: {  	[smem:$0x3FB4] =	sst s0;
	s0 =	simm.s32 @!p2 $0x0  }
0x16: {  	s3 =	sld [smem:$0x3FDB];
	s0 =	simm.s32 @p2 $0x1  }
0x17: {  	s4 =	simm.s32 $0x1BF5;
	[smem:$0x3FB6] =	sst s0  }
0x18: {  	s0 =	sld [smem:$0x3F99];
	_ =	swait.ge [sflag:s4], $0x0  }
0x19: {  	s7 =	sld [smem:$0x3F9A]  }
0x1a: {  	s8 =	sadd.s32 $0xFFFFE003, lr  }
0x1b: {  	s9 =	sadd.s32 $0xFFFFFEF7, lr;
	s5 =	simm.s32 $0xFFFFFFFF;
	p2 =	slt.u32 s8, $0xFFFFF086  }
0x1c: {  	p1 =	slt.u32 s9, $0xF7A;
	s5 =	simm.s32 @!p2 $0x0  }
0x1d: {  	s5 =	simm.s32 @p1 $0x1;
	p0 =	seq.s32 s7, s2  }
0x1e: {  	s7 =	smul.u32 @!p0 $0xF7A, s2;
	p2 =	seq.s32 @!p0 s5, $0x0  }
0x1f: {  	s9 =	smul.u32 $0xF7A, s1;
	s8 =	simm.s32 @!p0 $0x1BF5;
	p2 =	por !p2, p0  }
0x20: {  	[sflag:s8] =	ssyncset.s32 @!p0 $0xFFFFF086;
	s6 =	sadd.s32 @!p0 s3, s7;
	s7 =	simm.s32 @!p0 $0x108  }
0x21: {  	s3 =	sadd.s32 s3, s9;
	s6 =	sadd.s32 @!p0 $0x88, s6;
	s7 =	simm.s32 @p2 $0x1082  }
0x22: {  	[simem:s7], [sflag:s8] =	dma.local @!p0 [hbm:s6], $0xF7A  }
0x23: {  	s9 =	sor.u32 $0xD0000000, s2;
	s6 =	simm.s32 $0x108;
	_ =	swait.ge @!p0 [sflag:s8], $0x0  }
0x24: {  	s3 =	sadd.s32 $0x88, s3;
	s6 =	simm.s32 @!p1 $0x1082;
	[sflag:s4] =	ssyncset.s32 $0xFFFFF086  }
0x25: {  	[simem:s6], [sflag:s4] =	dma.local [hbm:s3], $0xF7A  }
0x26: {  	[smem:$0x3F9A] =	sst s1;
	(tag) =	ssettag s2;
	_ =	strace s9  }
0x27: {  	s1 =	sld [smem:$0x3FAA]  }
0x28: {  	s2 =	sld [smem:$0x3FAB]  }
0x29: {  	s4 =	sld [smem:$0x3FAD]  }
0x2a: {  	p0 =	seq.s32 s5, $0x0;
	s5 =	sld [smem:$0x3FAE]  }
0x2b: {  	s6 =	sld [smem:$0x3FAF]  }
0x2c: {  	s7 =	sld [smem:$0x3FB0]  }
0x2d: {  	s3 =	simm.s32 $0x108;
	s8 =	sld [smem:$0x3FB1]  }
0x2e: {  	s3 =	simm.s32 @!p0 $0x1082;
	s9 =	sld [smem:$0x3FB2]  }
0x2f: {  	lr =	sadd.s32 s0, s3;
	s0 =	sld [smem:$0x3FA9]  }
0x30: {  	s3 =	sld [smem:$0x3FAC]  }
0x31: {  	[smem:$0x3FB5] =	sst s10  }
0x32: {  	s10 =	sld [smem:$0x3FB3];
	_ =	sdelay $0x3  }
0x33: {  	p0 =	seq.s32 s10, $0x1;
	s10 =	sld [smem:$0x3FB5];
	_ =	sdelay $0x3  }
0x34: {  	[smem:$0x3FB5] =	sst s10  }
0x35: {  	s10 =	sld [smem:$0x3FB4];
	_ =	sdelay $0x3  }
0x36: {  	p1 =	seq.s32 s10, $0x1;
	s10 =	sld [smem:$0x3FB5];
	_ =	sdelay $0x3  }
0x37: {  	[smem:$0x3FB5] =	sst s10  }
0x38: {  	s10 =	sld [smem:$0x3FB6]  }
0x39: {  	_ = 	snop;
	(pc) =	sbr.ind lr, $3  }
0x3a: {  	_ = 	snop  }
0x3b: {  	_ = 	snop  }
0x3c: {  	p2 =	seq.s32 s10, $0x1;
	s10 =	sld [smem:$0x3FB5]  }
0x3d: {  	_ =	shalt  }
0x3e: {  	_ =	shalt  }
0x3f: {  	_ =	shalt  }
0x40: {  	_ =	shalt  }
0x41: {  	_ =	shalt  }
0x42: {  	_ =	shalt  }
0x43: {  	_ =	shalt  }
0x44: {  	_ =	shalt  }
0x45: {  	_ =	shalt  }
0x46: {  	_ =	shalt  }
0x47: {  	_ =	shalt  }
0x48: {  	_ =	shalt  }
0x49: {  	_ =	shalt  }
0x4a: {  	_ =	shalt  }
0x4b: {  	_ =	shalt  }
0x4c: {  	_ =	shalt  }
0x4d: {  	_ =	shalt  }
0x4e: {  	_ =	shalt  }
0x4f: {  	_ =	shalt  }
0x50: {  	_ =	shalt  }
0x51: {  	_ =	shalt  }
0x52: {  	_ =	shalt  }
0x53: {  	_ =	shalt  }
0x54: {  	_ =	shalt  }
0x55: {  	_ =	shalt  }
0x56: {  	_ =	shalt  }
0x57: {  	_ =	shalt  }
0x58: {  	_ =	shalt  }
0x59: {  	_ =	shalt  }
0x5a: {  	_ =	shalt  }
0x5b: {  	_ =	shalt  }
0x5c: {  	_ =	shalt  }
0x5d: {  	_ =	shalt  }
0x5e: {  	_ =	shalt  }
0x5f: {  	_ =	shalt  }
0x60: {  	_ =	shalt  }
0x61: {  	_ =	shalt  }
0x62: {  	_ =	shalt  }
0x63: {  	_ =	shalt  }
0x64: {  	_ =	shalt  }
0x65: {  	_ =	shalt  }
0x66: {  	_ =	shalt  }
0x67: {  	_ =	shalt  }
0x68: {  	_ =	shalt  }
0x69: {  	_ =	shalt  }
0x6a: {  	_ =	shalt  }
0x6b: {  	_ =	shalt  }
0x6c: {  	_ =	shalt  }
0x6d: {  	_ =	shalt  }
0x6e: {  	_ =	shalt  }
0x6f: {  	_ =	shalt  }
0x70: {  	_ =	shalt  }
0x71: {  	_ =	shalt  }
0x72: {  	_ =	shalt  }
0x73: {  	_ =	shalt  }
0x74: {  	_ =	shalt  }
0x75: {  	_ =	shalt  }
0x76: {  	_ =	shalt  }
0x77: {  	_ =	shalt  }
0x78: {  	_ =	shalt  }
0x79: {  	_ =	shalt  }
0x7a: {  	_ =	shalt  }
0x7b: {  	_ =	shalt  }
0x7c: {  	_ =	shalt  }
0x7d: {  	_ =	shalt  }
0x7e: {  	_ =	shalt  }
0x7f: {  	_ =	shalt  }
0x80: {  	_ =	shalt  }
0x81: {  	_ =	shalt  }
0x82: {  	_ =	shalt  }
0x83: {  	_ =	shalt  }
0x84: {  	_ =	shalt  }
0x85: {  	_ =	shalt  }
0x86: {  	_ =	shalt  }
0x87: {  	_ =	shalt  }
.Lfunc_end0:
.L_simem_size_0:
called_computation_lowered:
.L_overlay_start_0:
0x88: {  	s2 =	sld [smem:$0x3FD9]  }
0x89: {  	s3 =	sld [smem:$0x3FFE];
	_ =	sdelay $0x1  }
0x8a: {  	s1 =	srdreg.scid  }
0x8b: {  	s0 =	sand.u32 $0x1, s1  }
0x8c: {  	s17 =	sshll.u32 s0, $0xA;
	s2 =	sadd.s32 s3, s2  }
0x8d: {  	s2 =	sadd.s32 s2, s17  }
0x8e: {  	[smem:$0x3FC1] =	sst s2  }
0x8f: {  	_ = 	snop  }
0x90: {  	s2 =	sld [smem:$0x3FD0];
	(tm) =	ssettm $0x1  }
0x91: {  	s18 =	sld [smem:$0x3FFB];
	_ =	sdelay $0x3  }
0x92: {  	_ =	strace s18  }
0x93: {  	s3 =	sld [smem:$0x3FFC];
	_ =	sdelay $0x3  }
0x94: {  	_ =	strace s3  }
0x95: {  	s3 =	sld [smem:$0x3FFD];
	_ =	sdelay $0x3  }
0x96: {  	_ =	strace s3  }
0x97: {  	_ =	strace $0x8FFFFFFF  }
0x98: {  	s19 =	sld [smem:$0x3FDB];
	_ =	sdelay $0x1  }
0x99: {  	s4 =	simm.s32 $_scs_section_size  }
0x9a: {  	s5 =	simm.s32 $_size__tile_overlayer_lowered;
	s6 =	simm.s32 $_tile_overlayer_lowered  }
0x9b: {  	s22 =	simm.s32 $0x1BFF;
	s21 =	sshll.u32 s6, $0x1;
	s3 =	sadd.s32 s4, s19  }
0x9c: {  	s7 =	simm.s32 $0x0;
	s20 =	sshll.u32 s5, $0x1;
	s5 =	sadd.s32 s21, s3  }
0x9d: {  	[timem:s7], [sflag:s22] =	dma.local [hbm:s5], s20  }
0x9e: {  	_ =	swait.ge [sflag:s22], s20  }
0x9f: {  	s4 =	ssub.s32 $0x0, s20;
	[sflag:s22] =	ssyncset.done $0x0  }
0xa0: {  	[sflag:s22] =	ssyncadd.s32 s4;
	_ =	sdelay $0x1  }
0xa1: {  	s23 =	simm.s32 $0x1B8B  }
0xa2: {  	_ =	swait.ge [sflag:s23], $0x1  }
0xa3: {  	[sflag:s23] =	ssyncset.done $0x0  }
0xa4: {  	s25 =	simm.s32 $0x1B8E;
	s24 =	sld [smem:$0x3FFE];
	[sflag:s23] =	ssyncadd.s32 $0xFFFFFFFF  }
0xa5: {  	s26 =	simm.s32 $execute0_lowered;
	[smem:$0x3FD2] =	sst s25  }
0xa6: {  	s5 =	sshll.u32 s26, $0x1;
	_ =	strace $0x80000046;
	[dreg:$0x1] =	wrdreg $0xFFFFFFFF  }
0xa7: {  	s28 =	simm.s32 $_size_execute0_lowered;
	s3 =	sadd.s32 s3, s5;
	[dreg:$0x0] =	wrdreg $0x0  }
0xa8: {  	s5 =	sshll.u32 s28, $0x1;
	[dreg:$0x2] =	wrdreg s3  }
0xa9: {  	[dreg:$0x3] =	wrdreg s5  }
0xaa: {  	[dreg:$0x4] =	wrdreg $0xC0  }
0xab: {  	_ =	task [dreg:s7], $0x5FFFF  }
0xac: {  	[dreg:$0x1] =	wrdreg $0xFFFFFFFF  }
0xad: {  	[dreg:$0x0] =	wrdreg $0x60  }
0xae: {  	[dreg:$0x2] =	wrdreg s24  }
0xaf: {  	[dreg:$0x3] =	wrdreg s2  }
0xb0: {  	[dreg:$0x4] =	wrdreg $0x9  }
0xb1: {  	_ =	task.clear_ibuf [dreg:s7], $0x5FFFF;
	_ =	strace $0x90000046  }
0xb2: {  	s29 =	simm.s32 $0x9;
	_ =	strace $0x80000048  }
0xb3: {  	_ =	swait.ge [sflag:s29], $0x1  }
0xb4: {  	[sflag:s29] =	ssyncadd.s32 $0xFFFFFFFF  }
0xb5: {  	_ =	strace $0x90000048  }
0xb6: {  	_ =	sfence  }
0xb7: {  	s30 =	sld [smem:$0x0];
	_ =	sdelay $0x2  }
0xb8: {  	s31 =	sshll.u32 s1, $0xD;
	s1 =	sshrl.u32 s1, $0x2  }
0xb9: {  	s3 =	sand.u32 $0x4000, s31;
	s1 =	sadd.s32 s1, s30  }
0xba: {  	s0 =	sor.u32 s3, s0;
	s1 =	sshll.u32 s1, $0x11  }
0xbb: {  	s0 =	sor.u32 s1, s0  }
0xbc: {  	s0 =	sadd.s32 $0x8F2B, s0  }
0xbd: {  	[sflag:s0] =	ssyncadd.remote.s32 $0x1  }
0xbe: {  	_ =	sfence.sel $0xFFFF  }
0xbf: {  	[dreg:$0x0] =	wrdreg $0xFFFFFFFF;
	(pc) =	sbr.abs _section_cstart, $3  }
0xc0: {  	[dreg:$0x1] =	wrdreg $0xFFFFFFFF  }
0xc1: {  	_ =	task.clear_ibuf [dreg:s7], $0x2FFFF;
	_ =	strace $0x9FFFFFFF  }
0xc2: {  	(tm) =	ssettm $0x7FFFFFFF  }
0xc3: {  	_ =	shalt  }
tec
execute0_lowered:
.L_overlay_start_1:
0x0: {  	(tag) =	ssettag $0x1  }
0x1: {  	s1 =	srdreg.scid;
	s0 =	stileid.u32  }
0x2: {  	s16 =	rddreg [dreg:$0x0];
	s17 =	sand.u32 $0x1, s1;
	s31 =	sshll.u32 s0, $0x1  }
0x3: {  	s3 =	rddreg [dreg:$0x1];
	s18 =	sor.u32 s17, s31  }
0x4: {  	s2 =	simm.s32 $0x0;
	s1 =	rddreg [dreg:$0x2];
	s4 =	smul.u32 $0x41, s18  }
0x5: {  	[smem:$0x7FF] =	sst s2  }
0x6: {  	_ =	strace $0x80000047;
	s4 =	sadd.s32 s3, s4;
	s3 =	simm.s32 $0x2  }
0x7: {  	[tilespmem:s2], [sflag:$0x2] =	stream.linear.gather [hbm4b:s4+s2], $0x208, $0x38;
	[tilespmem:$0x10680] =	vst v63  }
0x8: {  	_ =	swait.ge [sflag:s3], $0x208  }
0x9: {  	s6 =	simm.s32 $0x68;
	[sflag:s3] =	ssyncset.done $0x0  }
0xa: {  	s7 =	simm.s32 $0x280;
	s5 =	sadd.s32 $0xF43400, s16;
	[sflag:s3] =	ssyncadd.s32 $0xFFFFFDF8  }
0xb: {  	[tilespmem:s7], [sflag:$0x1] =	stream.indirect.gather [hbm4b:s5+s6], $0x80, s2, s6, $0xb8;
	[tilespmem:$0x10680] =	vst v63  }
0xc: {  	s8 =	simm.s32 $0x3680  }
0xd: {  	[tilespmem:s8], [sflag:$0x1] =	stream.indirect.gather [hbm4b:s5+s6], $0x80, s6, s6, $0xb8;
	[tilespmem:$0x10680] =	vst v63  }
0xe: {  	s9 =	simm.s32 $0xD0;
	s10 =	simm.s32 $0x6A80  }
0xf: {  	[tilespmem:s10], [sflag:$0x1] =	stream.indirect.gather [hbm4b:s5+s6], $0x80, s9, s6, $0xb8;
	[tilespmem:$0x10680] =	vst v63  }
0x10: {  	s11 =	simm.s32 $0x138;
	s12 =	simm.s32 $0x9E80  }
0x11: {  	[tilespmem:s12], [sflag:$0x1] =	stream.indirect.gather [hbm4b:s5+s6], $0x80, s11, s6, $0xb8;
	[tilespmem:$0x10680] =	vst v63  }
0x12: {  	s13 =	simm.s32 $0x1A0;
	s14 =	simm.s32 $0xD280;
	s15 =	simm.s32 $0x1  }
0x13: {  	[tilespmem:s14], [sflag:$0x1] =	stream.indirect.gather [hbm4b:s5+s6], $0x80, s13, s6, $0xb8;
	[tilespmem:$0x10680] =	vst v63  }
0x14: {  	_ =	swait.ge [sflag:s15], $0x3400  }
0x15: {  	[sflag:s15] =	ssyncset.done $0x0  }
0x16: {  	[sflag:s15] =	ssyncadd.s32 $0xFFFFCC00  }
0x17: {  	_ =	swait.ge [sflag:s15], $0x3400  }
0x18: {  	[sflag:s15] =	ssyncset.done $0x0  }
0x19: {  	[sflag:s15] =	ssyncadd.s32 $0xFFFFCC00  }
0x1a: {  	_ =	swait.ge [sflag:s15], $0x3400  }
0x1b: {  	[sflag:s15] =	ssyncset.done $0x0  }
0x1c: {  	s17 =	ssub.s32 $0x2, s17;
	[sflag:s15] =	ssyncadd.s32 $0xFFFFCC00  }
0x1d: {  	s19 =	sshrl.u32 s17, $0x1;
	_ =	swait.ge [sflag:s15], $0x3400  }
0x1e: {  	s17 =	ssub.s32 s17, s19;
	[sflag:s15] =	ssyncset.done $0x0  }
0x1f: {  	s18 =	smul.u32 $0x2080, s18;
	s17 =	smax.u32 s17, $0x1;
	[sflag:s15] =	ssyncadd.s32 $0xFFFFCC00  }
0x20: {  	p0 =	sne.s32 s17, $0x1;
	_ =	swait.ge [sflag:s15], $0x3400  }
.Ltmp0:
0x21: {  	s16 =	sadd.s32 s18, s16;
	[sflag:s15] =	ssyncset.done $0x0;
	(pc) =	sbr.rel @!p0 .LBB2_2-.Ltmp0, $4  }
0x22: {  	s16 =	sadd.s32 $0x1000, s16;
	[sflag:s15] =	ssyncadd.s32 $0xFFFFCC00  }
0x23: {  	[hbm4b:s16+s2] =	stream.linear.scatter [tilespmem:s7], [sflag:$0x2], $0x10400, $0x38;
	[tilespmem:$0x10680] =	vst v63  }
0x24: {  	_ =	swait.ge [sflag:s3], $0x10400  }
0x25: {  	s17 =	sadd.s32 $0xFFFFFFFF, s17;
	[sflag:s3] =	ssyncset.done $0x0  }
.LBB2_1:
0x26: {  	p0 =	sne.s32 s17, $0x1;
	s17 =	sadd.s32 $0xFFFFFFFF, s17;
	[sflag:s3] =	ssyncadd.s32 $0xFFFEFC00  }
0x27: {  	[tilespmem:s2], [sflag:$0x2] =	stream.linear.gather [hbm4b:s4+s2], $0x208, $0x38;
	[tilespmem:$0x10680] =	vst v63  }
0x28: {  	_ =	swait.ge [sflag:s3], $0x208  }
0x29: {  	[sflag:s3] =	ssyncset.done $0x0  }
0x2a: {  	[sflag:s3] =	ssyncadd.s32 $0xFFFFFDF8  }
0x2b: {  	[tilespmem:s7], [sflag:$0x1] =	stream.indirect.gather [hbm4b:s5+s6], $0x80, s2, s6, $0xb8;
	[tilespmem:$0x10680] =	vst v63  }
0x2c: {  	_ = 	snop  }
0x2d: {  	[tilespmem:s8], [sflag:$0x1] =	stream.indirect.gather [hbm4b:s5+s6], $0x80, s6, s6, $0xb8;
	[tilespmem:$0x10680] =	vst v63  }
0x2e: {  	_ = 	snop  }
0x2f: {  	[tilespmem:s10], [sflag:$0x1] =	stream.indirect.gather [hbm4b:s5+s6], $0x80, s9, s6, $0xb8;
	[tilespmem:$0x10680] =	vst v63  }
0x30: {  	_ = 	snop  }
0x31: {  	[tilespmem:s12], [sflag:$0x1] =	stream.indirect.gather [hbm4b:s5+s6], $0x80, s11, s6, $0xb8;
	[tilespmem:$0x10680] =	vst v63  }
0x32: {  	_ = 	snop  }
0x33: {  	[tilespmem:s14], [sflag:$0x1] =	stream.indirect.gather [hbm4b:s5+s6], $0x80, s13, s6, $0xb8;
	[tilespmem:$0x10680] =	vst v63  }
0x34: {  	_ =	swait.ge [sflag:s15], $0x3400  }
0x35: {  	[sflag:s15] =	ssyncset.done $0x0  }
0x36: {  	[sflag:s15] =	ssyncadd.s32 $0xFFFFCC00  }
0x37: {  	_ =	swait.ge [sflag:s15], $0x3400  }
0x38: {  	[sflag:s15] =	ssyncset.done $0x0  }
0x39: {  	[sflag:s15] =	ssyncadd.s32 $0xFFFFCC00  }
0x3a: {  	_ =	swait.ge [sflag:s15], $0x3400  }
0x3b: {  	[sflag:s15] =	ssyncset.done $0x0  }
0x3c: {  	[sflag:s15] =	ssyncadd.s32 $0xFFFFCC00  }
0x3d: {  	_ =	swait.ge [sflag:s15], $0x3400  }
0x3e: {  	[sflag:s15] =	ssyncset.done $0x0  }
0x3f: {  	[sflag:s15] =	ssyncadd.s32 $0xFFFFCC00  }
0x40: {  	_ =	swait.ge [sflag:s15], $0x3400  }
.Ltmp1:
0x41: {  	[sflag:s15] =	ssyncset.done $0x0;
	(pc) =	sbr.rel @p0 .LBB2_1-.Ltmp1, $4  }
0x42: {  	[sflag:s15] =	ssyncadd.s32 $0xFFFFCC00  }
0x43: {  	[hbm4b:s16+s2] =	stream.linear.scatter [tilespmem:s7], [sflag:$0x2], $0x10400, $0x38;
	[tilespmem:$0x10680] =	vst v63  }
0x44: {  	_ =	swait.ge [sflag:s3], $0x10400  }
0x45: {  	[sflag:s3] =	ssyncset.done $0x0  }
.LBB2_2:
0x46: {  	[sflag:s3] =	ssyncadd.s32 $0xFFFEFC00  }
0x47: {  	_ =	sfence.sel $0x180000  }
0x48: {  	[bflag:$0x0] =	sbarrier.arrive $0xFFFF  }
0x49: {  	p0 =	sne.s32 s0, $0x0;
	_ =	strace $0x90000047  }
0x4a: {  	s0 =	sadd.s32 @!p0 $0x100000, s1;
	[bflag:$0x2] =	sbarrier.arrive $0xFFFF  }
0x4b: {  	[sflag:s0] =	ssyncadd.tile.s32 @!p0 $0x1;
	_ =	shalt  }
.Lfunc_end2:
_tile_overlayer_lowered:
.L_overlay_start_2:
0x4c: {  	(tag) =	ssettag $0x2  }
0x4d: {  	s0 =	rddreg [dreg:$0x0];
	s2 =	stileid.u32  }
0x4e: {  	s1 =	rddreg [dreg:$0x1];
	p0 =	sne.s32 s2, $0x0  }
0x4f: {  	s3 =	rddreg [dreg:$0x2];
	[bflag:$0x3] =	sbarrier.arrive $0xFFFF;
	s2 =	simm.s32 @!p0 $0x1C02  }
0x50: {  	[timem:s3], [sflag:s2] =	dma.local @!p0 [hbm:s0], s1  }
0x51: {  	s0 =	simm.s32 @!p0 $0x2  }
0x52: {  	_ =	swait.ge @!p0 [sflag:s0], s1  }
0x53: {  	s1 =	ssub.s32 @!p0 $0x0, s1;
	[sflag:s0] =	ssyncset.done @!p0 $0x0  }
0x54: {  	[sflag:s0] =	ssyncadd.s32 @!p0 s1  }
0x55: {  	[bflag:$0x3] =	sbarrier.arrive $0xFFFF  }
0x56: {  	_ =	shalt  }

</sc_bundles>
